<compile_context>
chip_gen: v7x
topology: tpu7x:2x2x1
jax: 0.10.2.dev20260603
libtpu: 0.0.44.dev20260713+nightly
codegen_flags: <defaults>
</compile_context>

<pallas_src>
import functools

import jax
import jax.numpy as jnp
from jax import lax
from jax.experimental import pallas as pl
from jax.experimental.pallas import tpu as pltpu
from jax.experimental.pallas import tpu_sc as plsc

HIDDEN = 128
DEPTH = 10
MAX_NEI = 8
NW = 32
NBUF = 4


@functools.partial(jax.jit, static_argnames=("chunk",))
def _sc_gather(table, idx, *, chunk):
    B = idx.shape[0]
    H = table.shape[1]
    dtype = table.dtype
    b_per_w = B // NW
    n_chunks = b_per_w // chunk
    n_outer = n_chunks // NBUF
    assert chunk <= 128 and chunk % 8 == 0, chunk
    assert B == NW * n_outer * NBUF * chunk, (B, chunk)
    mesh = plsc.VectorSubcoreMesh(core_axis_name="c", subcore_axis_name="s")

    @functools.partial(
        pl.kernel,
        out_type=jax.ShapeDtypeStruct((B, H), dtype),
        mesh=mesh,
        scratch_types=(
            [pltpu.VMEM((b_per_w,), jnp.int32)]
            + [pltpu.VMEM((chunk, H), dtype) for _ in range(NBUF)]
            + [pltpu.SemaphoreType.DMA for _ in range(2 * NBUF)]
        ),
    )
    def gather_kernel(table_hbm, idx_hbm, out_hbm, idx_all, *bufs):
        rows = bufs[:NBUF]
        gsem = bufs[NBUF:2 * NBUF]
        wsem = bufs[2 * NBUF:]
        wid = lax.axis_index("s") * 2 + lax.axis_index("c")
        base = wid * b_per_w
        pltpu.sync_copy(idx_hbm.at[pl.ds(base, b_per_w)], idx_all)

        def body(j, carry):
            for s in range(NBUF):
                @pl.when(j > 0)
                def _wait_wb(s=s):
                    pltpu.make_async_copy(
                        rows[s], out_hbm.at[pl.ds(base, chunk)], wsem[s]
                    ).wait()
                pltpu.async_copy(
                    table_hbm.at[idx_all.at[pl.ds((j * NBUF + s) * chunk,
                                                  chunk)]],
                    rows[s], gsem[s])
            for s in range(NBUF):
                pltpu.make_async_copy(
                    table_hbm.at[idx_all.at[pl.ds((j * NBUF + s) * chunk,
                                                  chunk)]],
                    rows[s], gsem[s]).wait()
                pltpu.async_copy(
                    rows[s],
                    out_hbm.at[pl.ds(base + (j * NBUF + s) * chunk, chunk)],
                    wsem[s])
            return carry

        lax.fori_loop(0, n_outer, body, 0)
        for s in range(NBUF):
            pltpu.make_async_copy(
                rows[s], out_hbm.at[pl.ds(base, chunk)], wsem[s]).wait()

    return gather_kernel(table, idx)


def _pre_body(x_ref, wzt_ref, bz_ref, wr_ref, bu_ref, wht_ref, bh_ref,
              xz_ref, xr_ref, xh_ref, h1_ref):
    x = x_ref[...]
    xz = x @ wzt_ref[...] + bz_ref[...]
    xr = x @ wr_ref[...] + bu_ref[...]
    xh = x @ wht_ref[...] + bh_ref[...]
    xz_ref[...] = xz
    xr_ref[...] = xr
    xh_ref[...] = xh
    h1 = jax.nn.sigmoid(xz) * jnp.tanh(xh)

    @pl.when(pl.program_id(0) == 0)
    def _zero_pad_row():
        row = lax.broadcasted_iota(jnp.int32, (x_ref.shape[0], 1), 0)
        h1_ref[...] = jnp.where(row == 0, 0.0, h1)

    @pl.when(pl.program_id(0) != 0)
    def _store():
        h1_ref[...] = h1


def _precompute(cur_x, W_z_w, W_z_b, W_r_w, U_r_b, W_h_w, W_h_b, blk):
    e_pad = cur_x.shape[0]
    grid = e_pad // blk

    def full(shape):
        return pl.BlockSpec(shape, lambda i: (0,) * len(shape))

    row_spec = pl.BlockSpec((blk, HIDDEN), lambda i: (i, 0))
    out = jax.ShapeDtypeStruct((e_pad, HIDDEN), jnp.float32)
    return pl.pallas_call(
        _pre_body,
        grid=(grid,),
        in_specs=[row_spec] + [full((HIDDEN, HIDDEN)), full((1, HIDDEN))] * 3,
        out_specs=[row_spec] * 4,
        out_shape=[out] * 4,
    )(cur_x, W_z_w[:HIDDEN], W_z_b.reshape(1, HIDDEN), W_r_w,
      U_r_b.reshape(1, HIDDEN), W_h_w[:HIDDEN], W_h_b.reshape(1, HIDDEN))


def _sigmoid(x):
    return jax.nn.sigmoid(x)


def _gru_body(xz_ref, xr_ref, xh_ref, hnei_ref, wzb_ref, ur_ref, whb_ref,
              *tail, zero_row):
    out_ref = tail[-1]
    blk = xz_ref.shape[0]
    h_nei = hnei_ref[...]
    sum_h = jnp.sum(h_nei, axis=0)
    z = _sigmoid(xz_ref[...] + sum_h @ wzb_ref[...])
    r2 = jnp.reshape(jnp.reshape(h_nei, (MAX_NEI * blk, HIDDEN)) @ ur_ref[...],
                     (MAX_NEI, blk, HIDDEN))
    r = _sigmoid(xr_ref[...][None] + r2)
    sum_gated = jnp.sum(r * h_nei, axis=0)
    pre_h = jnp.tanh(xh_ref[...] + sum_gated @ whb_ref[...])
    new_h = (1.0 - z) * sum_h + z * pre_h

    if zero_row:
        @pl.when(pl.program_id(0) == 0)
        def _zero_pad_row():
            row = lax.broadcasted_iota(jnp.int32, (blk, 1), 0)
            out_ref[...] = jnp.where(row == 0, 0.0, new_h)

        @pl.when(pl.program_id(0) != 0)
        def _store():
            out_ref[...] = new_h
    else:
        out_ref[...] = new_h


def _gru_step(xz, xr, xh, h_nei_seg, wz_bot, ur_w, wh_bot, blk, zero_row,
              off_blocks=0, out_buf=None):
    n_e = h_nei_seg.shape[1]
    e_full = xz.shape[0]
    blk = min(blk, n_e)
    grid = n_e // blk

    def full(shape):
        return pl.BlockSpec(shape, lambda i: (0,) * len(shape))

    row_spec = pl.BlockSpec((blk, HIDDEN), lambda i: (i + off_blocks, 0))
    in_specs = [
        row_spec, row_spec, row_spec,
        pl.BlockSpec((MAX_NEI, blk, HIDDEN), lambda i: (0, i, 0)),
        full((HIDDEN, HIDDEN)),
        full((HIDDEN, HIDDEN)),
        full((HIDDEN, HIDDEN)),
    ]
    args = [xz, xr, xh, h_nei_seg, wz_bot, ur_w, wh_bot]
    aliases = {}
    if out_buf is not None:
        in_specs.append(pl.BlockSpec(memory_space=pl.ANY))
        args.append(out_buf)
        aliases = {7: 0}
    return pl.pallas_call(
        functools.partial(_gru_body, zero_row=zero_row),
        grid=(grid,),
        in_specs=in_specs,
        out_specs=pl.BlockSpec((blk, HIDDEN), lambda i: (i + off_blocks, 0)),
        out_shape=jax.ShapeDtypeStruct((e_full, HIDDEN), jnp.float32),
        input_output_aliases=aliases,
    )(*args)


def _root_body(x_ref, hnei_ref, w_ref, b_ref, out_ref):
    x = x_ref[...]
    sum_h = jnp.sum(hnei_ref[...], axis=0)
    w = w_ref[...]
    out = x @ w[:HIDDEN] + sum_h @ w[HIDDEN:] + b_ref[...]
    out_ref[...] = jnp.maximum(out, 0.0)


def _root_eval(root_x, root_h_nei, W_w, W_b):
    b = root_x.shape[0]
    return pl.pallas_call(
        _root_body,
        out_shape=jax.ShapeDtypeStruct((b, HIDDEN), jnp.float32),
    )(root_x, root_h_nei, W_w, W_b.reshape(1, HIDDEN))


def kernel(node_wid, fmess, mess_graph, root_idx, root_mess, emb,
           W_z_w, W_z_b, W_r_w, U_r_w, U_r_b, W_h_w, W_h_b, W_w, W_b):
    E = fmess.shape[0]
    BLK = 256
    e_pad = ((E + 14335) // 14336) * 14336

    pad_n = e_pad - E
    N = node_wid.shape[0]
    fm_pad = jnp.concatenate(
        [fmess.astype(jnp.int32), jnp.arange(pad_n, dtype=jnp.int32) % N])

    mg_pad2 = jnp.concatenate(
        [mess_graph.astype(jnp.int32),
         jnp.reshape(jnp.arange(pad_n * MAX_NEI, dtype=jnp.int32) % E,
                     (pad_n, MAX_NEI))])

    n_pad = ((N + 2047) // 2048) * 2048
    nw_pad = jnp.concatenate(
        [node_wid.astype(jnp.int32),
         jnp.arange(n_pad - N, dtype=jnp.int32) % emb.shape[0]])
    node_x = _sc_gather(emb, nw_pad, chunk=80)
    cur_x = _sc_gather(node_x, fm_pad, chunk=112)
    xz, xr, xh, h = _precompute(cur_x, W_z_w, W_z_b, W_r_w, U_r_b,
                                W_h_w, W_h_b, BLK)
    wz_bot = W_z_w[HIDDEN:]
    wh_bot = W_h_w[HIDDEN:]

    n_blocks = e_pad // BLK
    seg_blocks = [n_blocks // 8, n_blocks // 4]
    seg_blocks.append(n_blocks - sum(seg_blocks))
    segs = []
    ob = 0
    for nb in seg_blocks:
        lo, hi = ob * BLK, (ob + nb) * BLK
        segs.append((ob, nb, hi - lo,
                     jnp.reshape(mg_pad2[lo:hi].T, (-1,))))
        ob += nb

    for _ in range(DEPTH - 1):
        gs = [_sc_gather(h, mg_s, chunk=112) for _, _, _, mg_s in segs]
        buf = None
        for s, (ob, nb, n_e, _) in enumerate(segs):
            buf = _gru_step(xz, xr, xh,
                            jnp.reshape(gs[s], (MAX_NEI, n_e, HIDDEN)),
                            wz_bot, U_r_w, wh_bot, BLK, s == 0,
                            off_blocks=ob, out_buf=buf)
        h = buf

    B_r = root_idx.shape[0]
    ri_pad = jnp.concatenate(
        [root_idx.astype(jnp.int32),
         jnp.arange(B_r, dtype=jnp.int32) % N])
    root_x = _sc_gather(node_x, ri_pad, chunk=8)[:B_r]
    rm_t = jnp.reshape(root_mess.astype(jnp.int32).T, (-1,))
    root_h_nei_flat = _sc_gather(h, rm_t, chunk=32)
    root_h_nei = jnp.reshape(root_h_nei_flat,
                             (MAX_NEI, root_idx.shape[0], HIDDEN))
    root_vecs = _root_eval(root_x, root_h_nei, W_w, W_b)

    return (h[:E], root_vecs)

# --- scband reference (transcript-rebuilt; emitter-appended) ---
"""Pipeline reference for scband-jtnnencoder-71743133712716 (READ-ONLY COPY).

The authoritative reference and input builder live on the scoring server;
editing this copy changes nothing except your own understanding.
"""

import jax, jax.numpy as jnp
import numpy as np

HIDDEN = 128
VOCAB = 1024
N_NODES = 50000
N_EDGES = 100001  # slot 0 is the zero-padding message
B_ROOTS = 1024
MAX_NEI = 8
DEPTH = 10


def setup_inputs(seed: int = 0) -> dict:
    key = jax.random.key(seed)
    ks = jax.random.split(key, 16)
    s = 1.0 / np.sqrt(HIDDEN)
    inp = {}
    inp['node_wid'] = jax.random.randint(ks[0], (N_NODES,), 0, VOCAB, dtype=jnp.int64) if jax.config.jax_enable_x64 else jax.random.randint(ks[0], (N_NODES,), 0, VOCAB)
    inp['fmess'] = jax.random.randint(ks[1], (N_EDGES,), 0, N_NODES)
    inp['mess_graph'] = jax.random.randint(ks[2], (N_EDGES, MAX_NEI), 0, N_EDGES)
    inp['root_idx'] = jax.random.randint(ks[3], (B_ROOTS,), 0, N_NODES)
    inp['root_mess'] = jax.random.randint(ks[4], (B_ROOTS, MAX_NEI), 0, N_EDGES)
    inp['emb'] = jax.random.normal(ks[5], (VOCAB, HIDDEN), dtype=jnp.float32) * s
    inp['W_z_w'] = jax.random.normal(ks[6], (2 * HIDDEN, HIDDEN), dtype=jnp.float32) * s
    inp['W_z_b'] = jnp.zeros((HIDDEN,), dtype=jnp.float32)
    inp['W_r_w'] = jax.random.normal(ks[7], (HIDDEN, HIDDEN), dtype=jnp.float32) * s
    inp['U_r_w'] = jax.random.normal(ks[8], (HIDDEN, HIDDEN), dtype=jnp.float32) * s
    inp['U_r_b'] = jnp.zeros((HIDDEN,), dtype=jnp.float32)
    inp['W_h_w'] = jax.random.normal(ks[9], (2 * HIDDEN, HIDDEN), dtype=jnp.float32) * s
    inp['W_h_b'] = jnp.zeros((HIDDEN,), dtype=jnp.float32)
    inp['W_w'] = jax.random.normal(ks[10], (2 * HIDDEN, HIDDEN), dtype=jnp.float32) * s
    inp['W_b'] = jnp.zeros((HIDDEN,), dtype=jnp.float32)
    return inp


def _gru(x, h_nei, W_z_w, W_z_b, W_r_w, U_r_w, U_r_b, W_h_w, W_h_b):
    # Faithful JTNN GRU (same math as the torch GRU helper)
    sum_h = h_nei.sum(axis=1)                                   # [E, H]
    z_input = jnp.concatenate([x, sum_h], axis=1)               # [E, 2H]
    z = jax.nn.sigmoid(z_input @ W_z_w + W_z_b)                 # [E, H]
    r_1 = (x @ W_r_w)[:, None, :]                               # [E, 1, H]
    r_2 = h_nei @ U_r_w + U_r_b                                 # [E, K, H]
    r = jax.nn.sigmoid(r_1 + r_2)                               # [E, K, H]
    gated_h = r * h_nei                                         # [E, K, H]
    sum_gated_h = gated_h.sum(axis=1)                           # [E, H]
    h_input = jnp.concatenate([x, sum_gated_h], axis=1)         # [E, 2H]
    pre_h = jnp.tanh(h_input @ W_h_w + W_h_b)                   # [E, H]
    new_h = (1.0 - z) * sum_h + z * pre_h                       # [E, H]
    return new_h


def reference(node_wid, fmess, mess_graph, root_idx, root_mess, emb,
              W_z_w, W_z_b, W_r_w, U_r_w, U_r_b, W_h_w, W_h_b, W_w, W_b):
    # Tensorized bottom-up/top-down tree message passing: the per-depth
    # edge batches of the original forward are realized as DEPTH full sweeps
    # over the flattened directed-edge table; mess_graph[e] lists the <=8
    # predecessor message slots (slot 0 = zero padding), matching h[z, x].
    cur_x = jnp.take(emb, jnp.take(node_wid, fmess, axis=0), axis=0)  # [E, H] embedding of node_x.wid per edge
    h = jnp.zeros((fmess.shape[0], HIDDEN), dtype=jnp.float32)
    for _ in range(DEPTH):
        h_nei = jnp.take(h, mess_graph, axis=0)                 # [E, 8, H] gather of predecessor messages
        h = _gru(cur_x, h_nei, W_z_w, W_z_b, W_r_w, U_r_w, U_r_b, W_h_w, W_h_b)
        h = h.at[0].set(0.0)                                    # keep padding slot zero
    # evaluate_root_vecs
    root_x = jnp.take(emb, jnp.take(node_wid, root_idx, axis=0), axis=0)   # [B, H]
    root_h_nei = jnp.take(h, root_mess, axis=0)                 # [B, 8, H]
    sum_h_nei = root_h_nei.sum(axis=1)                          # [B, H]
    root_vecs = jnp.concatenate([root_x, sum_h_nei], axis=1)    # [B, 2H]
    root_vecs = jax.nn.relu(root_vecs @ W_w + W_b)              # [B, H]
    return (h, root_vecs)

if __name__ == "__main__":
    import jax
    _d = setup_inputs()
    print(jax.jit(kernel)(*tuple(_d.values())))

</pallas_src>

<mosaic_0001>
#map = affine_map<(d0, d1) -> (0, 0)>
#map1 = affine_map<(d0, d1) -> (0)>
module attributes {stable_mosaic.version = 14 : i64} {
  func.func @gather_kernel(%arg0: i32, %arg1: i32, %arg2: memref<1024x128xf32, #tpu.memory_space<hbm>>, %arg3: memref<51200xi32, #tpu.memory_space<hbm>>, %arg4: memref<51200x128xf32, #tpu.memory_space<hbm>>, %arg5: memref<1600xi32, #tpu.memory_space<vmem>>, %arg6: memref<80x128xf32, #tpu.memory_space<vmem>>, %arg7: memref<80x128xf32, #tpu.memory_space<vmem>>, %arg8: memref<80x128xf32, #tpu.memory_space<vmem>>, %arg9: memref<80x128xf32, #tpu.memory_space<vmem>>, %arg10: memref<!tpu.dma_semaphore, #tpu.memory_space<semaphore_mem>>, %arg11: memref<!tpu.dma_semaphore, #tpu.memory_space<semaphore_mem>>, %arg12: memref<!tpu.dma_semaphore, #tpu.memory_space<semaphore_mem>>, %arg13: memref<!tpu.dma_semaphore, #tpu.memory_space<semaphore_mem>>, %arg14: memref<!tpu.dma_semaphore, #tpu.memory_space<semaphore_mem>>, %arg15: memref<!tpu.dma_semaphore, #tpu.memory_space<semaphore_mem>>, %arg16: memref<!tpu.dma_semaphore, #tpu.memory_space<semaphore_mem>>, %arg17: memref<!tpu.dma_semaphore, #tpu.memory_space<semaphore_mem>>) attributes {dimension_semantics = [#tpu.dimension_semantics<core_parallel>, #tpu.dimension_semantics<subcore_parallel>], iteration_bounds = array<i64: 2, 16>, scalar_prefetch = 0 : i64, scratch_operands = 13 : i64, tpu.core_type = #tpu.core_type<sc_vector_subcore>, window_params = [{transform_indices = #map}, {transform_indices = #map1}, {transform_indices = #map}]} {
    %mul3A = arith.constant 2 : i32
    %mul3A_0 = arith.muli %arg1, %mul3A : i32
    %add3A = arith.addi %mul3A_0, %arg0 : i32
    %mul3A_1 = arith.constant 1600 : i32
    %mul3A_2 = arith.muli %add3A, %mul3A_1 : i32
    "tpu.region"() ({
      %run_scoped3A = tpu.sem_alloc : memref<!tpu.dma_semaphore, #tpu.memory_space<semaphore_mem>>
      %dma_start3A = tpu.memref_slice %arg3[%mul3A_2] : memref<51200xi32, #tpu.memory_space<hbm>> -> memref<1600xi32, #tpu.memory_space<hbm>>
      %dma_start3A_23 = tpu.memref_slice %arg3[%mul3A_2] : memref<51200xi32, #tpu.memory_space<hbm>> -> memref<1600xi32, #tpu.memory_space<hbm>>
      tpu.enqueue_dma source(%dma_start3A_23 : memref<1600xi32, #tpu.memory_space<hbm>>) target(%arg5 : memref<1600xi32, #tpu.memory_space<vmem>>) target_semaphore(%run_scoped3A : memref<!tpu.dma_semaphore, #tpu.memory_space<semaphore_mem>>)
      %dma_wait3A_24 = tpu.memref_slice %arg3[%mul3A_2] : memref<51200xi32, #tpu.memory_space<hbm>> -> memref<1600xi32, #tpu.memory_space<hbm>>
      %dma_wait3A_25 = tpu.memref_slice %arg3[%mul3A_2] : memref<51200xi32, #tpu.memory_space<hbm>> -> memref<1600xi32, #tpu.memory_space<hbm>>
      tpu.wait_dma2 semaphore(%run_scoped3A : memref<!tpu.dma_semaphore, #tpu.memory_space<semaphore_mem>>) src(%dma_wait3A_25 : memref<1600xi32, #tpu.memory_space<hbm>>) dst(%arg5 : memref<1600xi32, #tpu.memory_space<vmem>>)
      tpu.yield
    }) : () -> ()
    %scan3A = arith.constant 0 : i32
    %scan3A_3 = arith.constant 0 : i32
    %scan3A_4 = arith.constant 5 : i32
    %scan3A_5 = arith.addi %scan3A_3, %scan3A_4 : i32
    %scan3A_6 = arith.constant 1 : i32
    scf.for %scan3A_23 = %scan3A_3 to %scan3A_5 step %scan3A_6  : i32 {
      %gt3A = arith.constant 0 : i32
      %gt3A_24 = arith.cmpi sgt, %scan3A_23, %gt3A : i32
      %convert_element_type3A = arith.extui %gt3A_24 : i1 to i32
      %cond3A = arith.constant 0 : i32
      %cond3A_25 = arith.cmpi ne, %convert_element_type3A, %cond3A : i32
      scf.if %cond3A_25 {
        %dma_wait3A_164 = arith.constant 0 : i32
        %dma_wait3A_165 = tpu.memref_slice %arg4[%mul3A_2, %dma_wait3A_164] : memref<51200x128xf32, #tpu.memory_space<hbm>> -> memref<80x128xf32, #tpu.memory_space<hbm>>
        %dma_wait3A_166 = arith.constant 0 : i32
        %dma_wait3A_167 = tpu.memref_slice %arg4[%mul3A_2, %dma_wait3A_166] : memref<51200x128xf32, #tpu.memory_space<hbm>> -> memref<80x128xf32, #tpu.memory_space<hbm>>
        tpu.wait_dma2 semaphore(%arg14 : memref<!tpu.dma_semaphore, #tpu.memory_space<semaphore_mem>>) src(%arg6 : memref<80x128xf32, #tpu.memory_space<vmem>>) dst(%dma_wait3A_167 : memref<80x128xf32, #tpu.memory_space<hbm>>)
      } else {
      }
      %mul3A_26 = arith.constant 4 : i32
      %mul3A_27 = arith.muli %scan3A_23, %mul3A_26 : i32
      %add3A_28 = arith.constant 0 : i32
      %add3A_29 = arith.addi %mul3A_27, %add3A_28 : i32
      %mul3A_30 = arith.constant 80 : i32
      %mul3A_31 = arith.muli %add3A_29, %mul3A_30 : i32
      %dma_start3A = tpu.memref_slice %arg5[%mul3A_31] : memref<1600xi32, #tpu.memory_space<vmem>> -> memref<80xi32, #tpu.memory_space<vmem>>
      %dma_start3A_32 = arith.constant 0 : i32
      %dma_start3A_33 = arith.constant 0 : i32
      %dma_start3A_34 = tpu.memref_slice %arg2[%dma_start3A_32, %dma_start3A_33] : memref<1024x128xf32, #tpu.memory_space<hbm>> -> memref<1024x128xf32, #tpu.memory_space<hbm>>
      tpu.enqueue_indirect_dma source(%dma_start3A_34 : memref<1024x128xf32, #tpu.memory_space<hbm>>) target(%arg6 : memref<80x128xf32, #tpu.memory_space<vmem>>) offsets(%dma_start3A : memref<80xi32, #tpu.memory_space<vmem>>) semaphore(%arg10 : memref<!tpu.dma_semaphore, #tpu.memory_space<semaphore_mem>>)
      %gt3A_35 = arith.constant 0 : i32
      %gt3A_36 = arith.cmpi sgt, %scan3A_23, %gt3A_35 : i32
      %convert_element_type3A_37 = arith.extui %gt3A_36 : i1 to i32
      %cond3A_38 = arith.constant 0 : i32
      %cond3A_39 = arith.cmpi ne, %convert_element_type3A_37, %cond3A_38 : i32
      scf.if %cond3A_39 {
        %dma_wait3A_164 = arith.constant 0 : i32
        %dma_wait3A_165 = tpu.memref_slice %arg4[%mul3A_2, %dma_wait3A_164] : memref<51200x128xf32, #tpu.memory_space<hbm>> -> memref<80x128xf32, #tpu.memory_space<hbm>>
        %dma_wait3A_166 = arith.constant 0 : i32
        %dma_wait3A_167 = tpu.memref_slice %arg4[%mul3A_2, %dma_wait3A_166] : memref<51200x128xf32, #tpu.memory_space<hbm>> -> memref<80x128xf32, #tpu.memory_space<hbm>>
        tpu.wait_dma2 semaphore(%arg15 : memref<!tpu.dma_semaphore, #tpu.memory_space<semaphore_mem>>) src(%arg7 : memref<80x128xf32, #tpu.memory_space<vmem>>) dst(%dma_wait3A_167 : memref<80x128xf32, #tpu.memory_space<hbm>>)
      } else {
      }
      %mul3A_40 = arith.constant 4 : i32
      %mul3A_41 = arith.muli %scan3A_23, %mul3A_40 : i32
      %add3A_42 = arith.constant 1 : i32
      %add3A_43 = arith.addi %mul3A_41, %add3A_42 : i32
      %mul3A_44 = arith.constant 80 : i32
      %mul3A_45 = arith.muli %add3A_43, %mul3A_44 : i32
      %dma_start3A_46 = tpu.memref_slice %arg5[%mul3A_45] : memref<1600xi32, #tpu.memory_space<vmem>> -> memref<80xi32, #tpu.memory_space<vmem>>
      %dma_start3A_47 = arith.constant 0 : i32
      %dma_start3A_48 = arith.constant 0 : i32
      %dma_start3A_49 = tpu.memref_slice %arg2[%dma_start3A_47, %dma_start3A_48] : memref<1024x128xf32, #tpu.memory_space<hbm>> -> memref<1024x128xf32, #tpu.memory_space<hbm>>
      tpu.enqueue_indirect_dma source(%dma_start3A_49 : memref<1024x128xf32, #tpu.memory_space<hbm>>) target(%arg7 : memref<80x128xf32, #tpu.memory_space<vmem>>) offsets(%dma_start3A_46 : memref<80xi32, #tpu.memory_space<vmem>>) semaphore(%arg11 : memref<!tpu.dma_semaphore, #tpu.memory_space<semaphore_mem>>)
      %gt3A_50 = arith.constant 0 : i32
      %gt3A_51 = arith.cmpi sgt, %scan3A_23, %gt3A_50 : i32
      %convert_element_type3A_52 = arith.extui %gt3A_51 : i1 to i32
      %cond3A_53 = arith.constant 0 : i32
      %cond3A_54 = arith.cmpi ne, %convert_element_type3A_52, %cond3A_53 : i32
      scf.if %cond3A_54 {
        %dma_wait3A_164 = arith.constant 0 : i32
        %dma_wait3A_165 = tpu.memref_slice %arg4[%mul3A_2, %dma_wait3A_164] : memref<51200x128xf32, #tpu.memory_space<hbm>> -> memref<80x128xf32, #tpu.memory_space<hbm>>
        %dma_wait3A_166 = arith.constant 0 : i32
        %dma_wait3A_167 = tpu.memref_slice %arg4[%mul3A_2, %dma_wait3A_166] : memref<51200x128xf32, #tpu.memory_space<hbm>> -> memref<80x128xf32, #tpu.memory_space<hbm>>
        tpu.wait_dma2 semaphore(%arg16 : memref<!tpu.dma_semaphore, #tpu.memory_space<semaphore_mem>>) src(%arg8 : memref<80x128xf32, #tpu.memory_space<vmem>>) dst(%dma_wait3A_167 : memref<80x128xf32, #tpu.memory_space<hbm>>)
      } else {
      }
      %mul3A_55 = arith.constant 4 : i32
      %mul3A_56 = arith.muli %scan3A_23, %mul3A_55 : i32
      %add3A_57 = arith.constant 2 : i32
      %add3A_58 = arith.addi %mul3A_56, %add3A_57 : i32
      %mul3A_59 = arith.constant 80 : i32
      %mul3A_60 = arith.muli %add3A_58, %mul3A_59 : i32
      %dma_start3A_61 = tpu.memref_slice %arg5[%mul3A_60] : memref<1600xi32, #tpu.memory_space<vmem>> -> memref<80xi32, #tpu.memory_space<vmem>>
      %dma_start3A_62 = arith.constant 0 : i32
      %dma_start3A_63 = arith.constant 0 : i32
      %dma_start3A_64 = tpu.memref_slice %arg2[%dma_start3A_62, %dma_start3A_63] : memref<1024x128xf32, #tpu.memory_space<hbm>> -> memref<1024x128xf32, #tpu.memory_space<hbm>>
      tpu.enqueue_indirect_dma source(%dma_start3A_64 : memref<1024x128xf32, #tpu.memory_space<hbm>>) target(%arg8 : memref<80x128xf32, #tpu.memory_space<vmem>>) offsets(%dma_start3A_61 : memref<80xi32, #tpu.memory_space<vmem>>) semaphore(%arg12 : memref<!tpu.dma_semaphore, #tpu.memory_space<semaphore_mem>>)
      %gt3A_65 = arith.constant 0 : i32
      %gt3A_66 = arith.cmpi sgt, %scan3A_23, %gt3A_65 : i32
      %convert_element_type3A_67 = arith.extui %gt3A_66 : i1 to i32
      %cond3A_68 = arith.constant 0 : i32
      %cond3A_69 = arith.cmpi ne, %convert_element_type3A_67, %cond3A_68 : i32
      scf.if %cond3A_69 {
        %dma_wait3A_164 = arith.constant 0 : i32
        %dma_wait3A_165 = tpu.memref_slice %arg4[%mul3A_2, %dma_wait3A_164] : memref<51200x128xf32, #tpu.memory_space<hbm>> -> memref<80x128xf32, #tpu.memory_space<hbm>>
        %dma_wait3A_166 = arith.constant 0 : i32
        %dma_wait3A_167 = tpu.memref_slice %arg4[%mul3A_2, %dma_wait3A_166] : memref<51200x128xf32, #tpu.memory_space<hbm>> -> memref<80x128xf32, #tpu.memory_space<hbm>>
        tpu.wait_dma2 semaphore(%arg17 : memref<!tpu.dma_semaphore, #tpu.memory_space<semaphore_mem>>) src(%arg9 : memref<80x128xf32, #tpu.memory_space<vmem>>) dst(%dma_wait3A_167 : memref<80x128xf32, #tpu.memory_space<hbm>>)
      } else {
      }
      %mul3A_70 = arith.constant 4 : i32
      %mul3A_71 = arith.muli %scan3A_23, %mul3A_70 : i32
      %add3A_72 = arith.constant 3 : i32
      %add3A_73 = arith.addi %mul3A_71, %add3A_72 : i32
      %mul3A_74 = arith.constant 80 : i32
      %mul3A_75 = arith.muli %add3A_73, %mul3A_74 : i32
      %dma_start3A_76 = tpu.memref_slice %arg5[%mul3A_75] : memref<1600xi32, #tpu.memory_space<vmem>> -> memref<80xi32, #tpu.memory_space<vmem>>
      %dma_start3A_77 = arith.constant 0 : i32
      %dma_start3A_78 = arith.constant 0 : i32
      %dma_start3A_79 = tpu.memref_slice %arg2[%dma_start3A_77, %dma_start3A_78] : memref<1024x128xf32, #tpu.memory_space<hbm>> -> memref<1024x128xf32, #tpu.memory_space<hbm>>
      tpu.enqueue_indirect_dma source(%dma_start3A_79 : memref<1024x128xf32, #tpu.memory_space<hbm>>) target(%arg9 : memref<80x128xf32, #tpu.memory_space<vmem>>) offsets(%dma_start3A_76 : memref<80xi32, #tpu.memory_space<vmem>>) semaphore(%arg13 : memref<!tpu.dma_semaphore, #tpu.memory_space<semaphore_mem>>)
      %mul3A_80 = arith.constant 4 : i32
      %mul3A_81 = arith.muli %scan3A_23, %mul3A_80 : i32
      %add3A_82 = arith.constant 0 : i32
      %add3A_83 = arith.addi %mul3A_81, %add3A_82 : i32
      %mul3A_84 = arith.constant 80 : i32
      %mul3A_85 = arith.muli %add3A_83, %mul3A_84 : i32
      %dma_wait3A_86 = tpu.memref_slice %arg5[%mul3A_85] : memref<1600xi32, #tpu.memory_space<vmem>> -> memref<80xi32, #tpu.memory_space<vmem>>
      %dma_wait3A_87 = arith.constant 0 : i32
      %dma_wait3A_88 = arith.constant 0 : i32
      %dma_wait3A_89 = tpu.memref_slice %arg2[%dma_wait3A_87, %dma_wait3A_88] : memref<1024x128xf32, #tpu.memory_space<hbm>> -> memref<1024x128xf32, #tpu.memory_space<hbm>>
      tpu.wait_indirect_dma semaphore(%arg10 : memref<!tpu.dma_semaphore, #tpu.memory_space<semaphore_mem>>) src(%dma_wait3A_89 : memref<1024x128xf32, #tpu.memory_space<hbm>>) dst(%arg6 : memref<80x128xf32, #tpu.memory_space<vmem>>)
      %mul3A_90 = arith.constant 4 : i32
      %mul3A_91 = arith.muli %scan3A_23, %mul3A_90 : i32
      %add3A_92 = arith.constant 0 : i32
      %add3A_93 = arith.addi %mul3A_91, %add3A_92 : i32
      %mul3A_94 = arith.constant 80 : i32
      %mul3A_95 = arith.muli %add3A_93, %mul3A_94 : i32
      %add3A_96 = arith.addi %mul3A_2, %mul3A_95 : i32
      %dma_start3A_97 = arith.constant 0 : i32
      %dma_start3A_98 = tpu.memref_slice %arg4[%add3A_96, %dma_start3A_97] : memref<51200x128xf32, #tpu.memory_space<hbm>> -> memref<80x128xf32, #tpu.memory_space<hbm>>
      %dma_start3A_99 = arith.constant 0 : i32
      %dma_start3A_100 = tpu.memref_slice %arg4[%add3A_96, %dma_start3A_99] : memref<51200x128xf32, #tpu.memory_space<hbm>> -> memref<80x128xf32, #tpu.memory_space<hbm>>
      tpu.enqueue_dma source(%arg6 : memref<80x128xf32, #tpu.memory_space<vmem>>) target(%dma_start3A_100 : memref<80x128xf32, #tpu.memory_space<hbm>>) target_semaphore(%arg14 : memref<!tpu.dma_semaphore, #tpu.memory_space<semaphore_mem>>)
      %mul3A_101 = arith.constant 4 : i32
      %mul3A_102 = arith.muli %scan3A_23, %mul3A_101 : i32
      %add3A_103 = arith.constant 1 : i32
      %add3A_104 = arith.addi %mul3A_102, %add3A_103 : i32
      %mul3A_105 = arith.constant 80 : i32
      %mul3A_106 = arith.muli %add3A_104, %mul3A_105 : i32
      %dma_wait3A_107 = tpu.memref_slice %arg5[%mul3A_106] : memref<1600xi32, #tpu.memory_space<vmem>> -> memref<80xi32, #tpu.memory_space<vmem>>
      %dma_wait3A_108 = arith.constant 0 : i32
      %dma_wait3A_109 = arith.constant 0 : i32
      %dma_wait3A_110 = tpu.memref_slice %arg2[%dma_wait3A_108, %dma_wait3A_109] : memref<1024x128xf32, #tpu.memory_space<hbm>> -> memref<1024x128xf32, #tpu.memory_space<hbm>>
      tpu.wait_indirect_dma semaphore(%arg11 : memref<!tpu.dma_semaphore, #tpu.memory_space<semaphore_mem>>) src(%dma_wait3A_110 : memref<1024x128xf32, #tpu.memory_space<hbm>>) dst(%arg7 : memref<80x128xf32, #tpu.memory_space<vmem>>)
      %mul3A_111 = arith.constant 4 : i32
      %mul3A_112 = arith.muli %scan3A_23, %mul3A_111 : i32
      %add3A_113 = arith.constant 1 : i32
      %add3A_114 = arith.addi %mul3A_112, %add3A_113 : i32
      %mul3A_115 = arith.constant 80 : i32
      %mul3A_116 = arith.muli %add3A_114, %mul3A_115 : i32
      %add3A_117 = arith.addi %mul3A_2, %mul3A_116 : i32
      %dma_start3A_118 = arith.constant 0 : i32
      %dma_start3A_119 = tpu.memref_slice %arg4[%add3A_117, %dma_start3A_118] : memref<51200x128xf32, #tpu.memory_space<hbm>> -> memref<80x128xf32, #tpu.memory_space<hbm>>
      %dma_start3A_120 = arith.constant 0 : i32
      %dma_start3A_121 = tpu.memref_slice %arg4[%add3A_117, %dma_start3A_120] : memref<51200x128xf32, #tpu.memory_space<hbm>> -> memref<80x128xf32, #tpu.memory_space<hbm>>
      tpu.enqueue_dma source(%arg7 : memref<80x128xf32, #tpu.memory_space<vmem>>) target(%dma_start3A_121 : memref<80x128xf32, #tpu.memory_space<hbm>>) target_semaphore(%arg15 : memref<!tpu.dma_semaphore, #tpu.memory_space<semaphore_mem>>)
      %mul3A_122 = arith.constant 4 : i32
      %mul3A_123 = arith.muli %scan3A_23, %mul3A_122 : i32
      %add3A_124 = arith.constant 2 : i32
      %add3A_125 = arith.addi %mul3A_123, %add3A_124 : i32
      %mul3A_126 = arith.constant 80 : i32
      %mul3A_127 = arith.muli %add3A_125, %mul3A_126 : i32
      %dma_wait3A_128 = tpu.memref_slice %arg5[%mul3A_127] : memref<1600xi32, #tpu.memory_space<vmem>> -> memref<80xi32, #tpu.memory_space<vmem>>
      %dma_wait3A_129 = arith.constant 0 : i32
      %dma_wait3A_130 = arith.constant 0 : i32
      %dma_wait3A_131 = tpu.memref_slice %arg2[%dma_wait3A_129, %dma_wait3A_130] : memref<1024x128xf32, #tpu.memory_space<hbm>> -> memref<1024x128xf32, #tpu.memory_space<hbm>>
      tpu.wait_indirect_dma semaphore(%arg12 : memref<!tpu.dma_semaphore, #tpu.memory_space<semaphore_mem>>) src(%dma_wait3A_131 : memref<1024x128xf32, #tpu.memory_space<hbm>>) dst(%arg8 : memref<80x128xf32, #tpu.memory_space<vmem>>)
      %mul3A_132 = arith.constant 4 : i32
      %mul3A_133 = arith.muli %scan3A_23, %mul3A_132 : i32
      %add3A_134 = arith.constant 2 : i32
      %add3A_135 = arith.addi %mul3A_133, %add3A_134 : i32
      %mul3A_136 = arith.constant 80 : i32
      %mul3A_137 = arith.muli %add3A_135, %mul3A_136 : i32
      %add3A_138 = arith.addi %mul3A_2, %mul3A_137 : i32
      %dma_start3A_139 = arith.constant 0 : i32
      %dma_start3A_140 = tpu.memref_slice %arg4[%add3A_138, %dma_start3A_139] : memref<51200x128xf32, #tpu.memory_space<hbm>> -> memref<80x128xf32, #tpu.memory_space<hbm>>
      %dma_start3A_141 = arith.constant 0 : i32
      %dma_start3A_142 = tpu.memref_slice %arg4[%add3A_138, %dma_start3A_141] : memref<51200x128xf32, #tpu.memory_space<hbm>> -> memref<80x128xf32, #tpu.memory_space<hbm>>
      tpu.enqueue_dma source(%arg8 : memref<80x128xf32, #tpu.memory_space<vmem>>) target(%dma_start3A_142 : memref<80x128xf32, #tpu.memory_space<hbm>>) target_semaphore(%arg16 : memref<!tpu.dma_semaphore, #tpu.memory_space<semaphore_mem>>)
      %mul3A_143 = arith.constant 4 : i32
      %mul3A_144 = arith.muli %scan3A_23, %mul3A_143 : i32
      %add3A_145 = arith.constant 3 : i32
      %add3A_146 = arith.addi %mul3A_144, %add3A_145 : i32
      %mul3A_147 = arith.constant 80 : i32
      %mul3A_148 = arith.muli %add3A_146, %mul3A_147 : i32
      %dma_wait3A_149 = tpu.memref_slice %arg5[%mul3A_148] : memref<1600xi32, #tpu.memory_space<vmem>> -> memref<80xi32, #tpu.memory_space<vmem>>
      %dma_wait3A_150 = arith.constant 0 : i32
      %dma_wait3A_151 = arith.constant 0 : i32
      %dma_wait3A_152 = tpu.memref_slice %arg2[%dma_wait3A_150, %dma_wait3A_151] : memref<1024x128xf32, #tpu.memory_space<hbm>> -> memref<1024x128xf32, #tpu.memory_space<hbm>>
      tpu.wait_indirect_dma semaphore(%arg13 : memref<!tpu.dma_semaphore, #tpu.memory_space<semaphore_mem>>) src(%dma_wait3A_152 : memref<1024x128xf32, #tpu.memory_space<hbm>>) dst(%arg9 : memref<80x128xf32, #tpu.memory_space<vmem>>)
      %mul3A_153 = arith.constant 4 : i32
      %mul3A_154 = arith.muli %scan3A_23, %mul3A_153 : i32
      %add3A_155 = arith.constant 3 : i32
      %add3A_156 = arith.addi %mul3A_154, %add3A_155 : i32
      %mul3A_157 = arith.constant 80 : i32
      %mul3A_158 = arith.muli %add3A_156, %mul3A_157 : i32
      %add3A_159 = arith.addi %mul3A_2, %mul3A_158 : i32
      %dma_start3A_160 = arith.constant 0 : i32
      %dma_start3A_161 = tpu.memref_slice %arg4[%add3A_159, %dma_start3A_160] : memref<51200x128xf32, #tpu.memory_space<hbm>> -> memref<80x128xf32, #tpu.memory_space<hbm>>
      %dma_start3A_162 = arith.constant 0 : i32
      %dma_start3A_163 = tpu.memref_slice %arg4[%add3A_159, %dma_start3A_162] : memref<51200x128xf32, #tpu.memory_space<hbm>> -> memref<80x128xf32, #tpu.memory_space<hbm>>
      tpu.enqueue_dma source(%arg9 : memref<80x128xf32, #tpu.memory_space<vmem>>) target(%dma_start3A_163 : memref<80x128xf32, #tpu.memory_space<hbm>>) target_semaphore(%arg17 : memref<!tpu.dma_semaphore, #tpu.memory_space<semaphore_mem>>)
    }
    %scan3A_7 = arith.constant 5 : i32
    %dma_wait3A = arith.constant 0 : i32
    %dma_wait3A_8 = tpu.memref_slice %arg4[%mul3A_2, %dma_wait3A] : memref<51200x128xf32, #tpu.memory_space<hbm>> -> memref<80x128xf32, #tpu.memory_space<hbm>>
    %dma_wait3A_9 = arith.constant 0 : i32
    %dma_wait3A_10 = tpu.memref_slice %arg4[%mul3A_2, %dma_wait3A_9] : memref<51200x128xf32, #tpu.memory_space<hbm>> -> memref<80x128xf32, #tpu.memory_space<hbm>>
    tpu.wait_dma2 semaphore(%arg14 : memref<!tpu.dma_semaphore, #tpu.memory_space<semaphore_mem>>) src(%arg6 : memref<80x128xf32, #tpu.memory_space<vmem>>) dst(%dma_wait3A_10 : memref<80x128xf32, #tpu.memory_space<hbm>>)
    %dma_wait3A_11 = arith.constant 0 : i32
    %dma_wait3A_12 = tpu.memref_slice %arg4[%mul3A_2, %dma_wait3A_11] : memref<51200x128xf32, #tpu.memory_space<hbm>> -> memref<80x128xf32, #tpu.memory_space<hbm>>
    %dma_wait3A_13 = arith.constant 0 : i32
    %dma_wait3A_14 = tpu.memref_slice %arg4[%mul3A_2, %dma_wait3A_13] : memref<51200x128xf32, #tpu.memory_space<hbm>> -> memref<80x128xf32, #tpu.memory_space<hbm>>
    tpu.wait_dma2 semaphore(%arg15 : memref<!tpu.dma_semaphore, #tpu.memory_space<semaphore_mem>>) src(%arg7 : memref<80x128xf32, #tpu.memory_space<vmem>>) dst(%dma_wait3A_14 : memref<80x128xf32, #tpu.memory_space<hbm>>)
    %dma_wait3A_15 = arith.constant 0 : i32
    %dma_wait3A_16 = tpu.memref_slice %arg4[%mul3A_2, %dma_wait3A_15] : memref<51200x128xf32, #tpu.memory_space<hbm>> -> memref<80x128xf32, #tpu.memory_space<hbm>>
    %dma_wait3A_17 = arith.constant 0 : i32
    %dma_wait3A_18 = tpu.memref_slice %arg4[%mul3A_2, %dma_wait3A_17] : memref<51200x128xf32, #tpu.memory_space<hbm>> -> memref<80x128xf32, #tpu.memory_space<hbm>>
    tpu.wait_dma2 semaphore(%arg16 : memref<!tpu.dma_semaphore, #tpu.memory_space<semaphore_mem>>) src(%arg8 : memref<80x128xf32, #tpu.memory_space<vmem>>) dst(%dma_wait3A_18 : memref<80x128xf32, #tpu.memory_space<hbm>>)
    %dma_wait3A_19 = arith.constant 0 : i32
    %dma_wait3A_20 = tpu.memref_slice %arg4[%mul3A_2, %dma_wait3A_19] : memref<51200x128xf32, #tpu.memory_space<hbm>> -> memref<80x128xf32, #tpu.memory_space<hbm>>
    %dma_wait3A_21 = arith.constant 0 : i32
    %dma_wait3A_22 = tpu.memref_slice %arg4[%mul3A_2, %dma_wait3A_21] : memref<51200x128xf32, #tpu.memory_space<hbm>> -> memref<80x128xf32, #tpu.memory_space<hbm>>
    tpu.wait_dma2 semaphore(%arg17 : memref<!tpu.dma_semaphore, #tpu.memory_space<semaphore_mem>>) src(%arg9 : memref<80x128xf32, #tpu.memory_space<vmem>>) dst(%dma_wait3A_22 : memref<80x128xf32, #tpu.memory_space<hbm>>)
    return
  }
}

</mosaic_0001>

<sc_bundles>
// kernel: _sc_gather.3.cloned.1.call-start
scs
__scs_entry_jumppad:
0x0: {  	(pc) =	sbr.rel $0x88, $3  }
0x1: {  	(tag) =	ssettag $0x0;
	lr =	simm.s32 $0x1  }
0x2: {  	[smem:$0x3F9F] =	sst lr;
	_ =	strace $0xD0000000  }
0x3: {  	_ = 	snop  }
0x4: {  	_ = 	snop  }
0x5: {  	_ = 	snop  }
0x6: {  	_ = 	snop  }
0x7: {  	_ = 	snop  }
__scs_overlays_trampoline_lowered:
0x8: {  	[smem:$0x3FAE] =	sst s0  }
0x9: {  	[smem:$0x3FAF] =	sst s1  }
0xa: {  	[smem:$0x3FB0] =	sst s2  }
0xb: {  	[smem:$0x3FB1] =	sst s3  }
0xc: {  	[smem:$0x3FB2] =	sst s4  }
0xd: {  	[smem:$0x3FB3] =	sst s5  }
0xe: {  	[smem:$0x3FB4] =	sst s6  }
0xf: {  	[smem:$0x3FB5] =	sst s7  }
0x10: {  	[smem:$0x3FB6] =	sst s8  }
0x11: {  	[smem:$0x3FB7] =	sst s9;
	s0 =	simm.s32 @!p0 $0x0  }
0x12: {  	s1 =	sld [smem:$0x3F9D];
	s0 =	simm.s32 @p0 $0x1  }
0x13: {  	[smem:$0x3FB8] =	sst s0;
	s0 =	simm.s32 @!p1 $0x0  }
0x14: {  	s2 =	sld [smem:$0x3F9C];
	s0 =	simm.s32 @p1 $0x1  }
0x15: {  	[smem:$0x3FB9] =	sst s0;
	s0 =	simm.s32 @!p2 $0x0  }
0x16: {  	s3 =	sld [smem:$0x3FDB];
	s0 =	simm.s32 @p2 $0x1  }
0x17: {  	s4 =	simm.s32 $0x1BF5;
	[smem:$0x3FBB] =	sst s0  }
0x18: {  	s0 =	sld [smem:$0x3F9E];
	_ =	swait.ge [sflag:s4], $0x0  }
0x19: {  	s7 =	sld [smem:$0x3F9F]  }
0x1a: {  	s8 =	sadd.s32 $0xFFFFE003, lr  }
0x1b: {  	s9 =	sadd.s32 $0xFFFFFEF7, lr;
	s5 =	simm.s32 $0xFFFFFFFF;
	p2 =	slt.u32 s8, $0xFFFFF086  }
0x1c: {  	p1 =	slt.u32 s9, $0xF7A;
	s5 =	simm.s32 @!p2 $0x0  }
0x1d: {  	s5 =	simm.s32 @p1 $0x1;
	p0 =	seq.s32 s7, s2  }
0x1e: {  	s7 =	smul.u32 @!p0 $0xF7A, s2;
	p2 =	seq.s32 @!p0 s5, $0x0  }
0x1f: {  	s9 =	smul.u32 $0xF7A, s1;
	s8 =	simm.s32 @!p0 $0x1BF5;
	p2 =	por !p2, p0  }
0x20: {  	[sflag:s8] =	ssyncset.s32 @!p0 $0xFFFFF086;
	s6 =	sadd.s32 @!p0 s3, s7;
	s7 =	simm.s32 @!p0 $0x108  }
0x21: {  	s3 =	sadd.s32 s3, s9;
	s6 =	sadd.s32 @!p0 $0x88, s6;
	s7 =	simm.s32 @p2 $0x1082  }
0x22: {  	[simem:s7], [sflag:s8] =	dma.local @!p0 [hbm:s6], $0xF7A  }
0x23: {  	s9 =	sor.u32 $0xD0000000, s2;
	s6 =	simm.s32 $0x108;
	_ =	swait.ge @!p0 [sflag:s8], $0x0  }
0x24: {  	s3 =	sadd.s32 $0x88, s3;
	s6 =	simm.s32 @!p1 $0x1082;
	[sflag:s4] =	ssyncset.s32 $0xFFFFF086  }
0x25: {  	[simem:s6], [sflag:s4] =	dma.local [hbm:s3], $0xF7A  }
0x26: {  	[smem:$0x3F9F] =	sst s1;
	(tag) =	ssettag s2;
	_ =	strace s9  }
0x27: {  	s1 =	sld [smem:$0x3FAF]  }
0x28: {  	s2 =	sld [smem:$0x3FB0]  }
0x29: {  	s4 =	sld [smem:$0x3FB2]  }
0x2a: {  	p0 =	seq.s32 s5, $0x0;
	s5 =	sld [smem:$0x3FB3]  }
0x2b: {  	s6 =	sld [smem:$0x3FB4]  }
0x2c: {  	s7 =	sld [smem:$0x3FB5]  }
0x2d: {  	s3 =	simm.s32 $0x108;
	s8 =	sld [smem:$0x3FB6]  }
0x2e: {  	s3 =	simm.s32 @!p0 $0x1082;
	s9 =	sld [smem:$0x3FB7]  }
0x2f: {  	lr =	sadd.s32 s0, s3;
	s0 =	sld [smem:$0x3FAE]  }
0x30: {  	s3 =	sld [smem:$0x3FB1]  }
0x31: {  	[smem:$0x3FBA] =	sst s10  }
0x32: {  	s10 =	sld [smem:$0x3FB8];
	_ =	sdelay $0x3  }
0x33: {  	p0 =	seq.s32 s10, $0x1;
	s10 =	sld [smem:$0x3FBA];
	_ =	sdelay $0x3  }
0x34: {  	[smem:$0x3FBA] =	sst s10  }
0x35: {  	s10 =	sld [smem:$0x3FB9];
	_ =	sdelay $0x3  }
0x36: {  	p1 =	seq.s32 s10, $0x1;
	s10 =	sld [smem:$0x3FBA];
	_ =	sdelay $0x3  }
0x37: {  	[smem:$0x3FBA] =	sst s10  }
0x38: {  	s10 =	sld [smem:$0x3FBB]  }
0x39: {  	_ = 	snop;
	(pc) =	sbr.ind lr, $3  }
0x3a: {  	_ = 	snop  }
0x3b: {  	_ = 	snop  }
0x3c: {  	p2 =	seq.s32 s10, $0x1;
	s10 =	sld [smem:$0x3FBA]  }
0x3d: {  	_ =	shalt  }
0x3e: {  	_ =	shalt  }
0x3f: {  	_ =	shalt  }
0x40: {  	_ =	shalt  }
0x41: {  	_ =	shalt  }
0x42: {  	_ =	shalt  }
0x43: {  	_ =	shalt  }
0x44: {  	_ =	shalt  }
0x45: {  	_ =	shalt  }
0x46: {  	_ =	shalt  }
0x47: {  	_ =	shalt  }
0x48: {  	_ =	shalt  }
0x49: {  	_ =	shalt  }
0x4a: {  	_ =	shalt  }
0x4b: {  	_ =	shalt  }
0x4c: {  	_ =	shalt  }
0x4d: {  	_ =	shalt  }
0x4e: {  	_ =	shalt  }
0x4f: {  	_ =	shalt  }
0x50: {  	_ =	shalt  }
0x51: {  	_ =	shalt  }
0x52: {  	_ =	shalt  }
0x53: {  	_ =	shalt  }
0x54: {  	_ =	shalt  }
0x55: {  	_ =	shalt  }
0x56: {  	_ =	shalt  }
0x57: {  	_ =	shalt  }
0x58: {  	_ =	shalt  }
0x59: {  	_ =	shalt  }
0x5a: {  	_ =	shalt  }
0x5b: {  	_ =	shalt  }
0x5c: {  	_ =	shalt  }
0x5d: {  	_ =	shalt  }
0x5e: {  	_ =	shalt  }
0x5f: {  	_ =	shalt  }
0x60: {  	_ =	shalt  }
0x61: {  	_ =	shalt  }
0x62: {  	_ =	shalt  }
0x63: {  	_ =	shalt  }
0x64: {  	_ =	shalt  }
0x65: {  	_ =	shalt  }
0x66: {  	_ =	shalt  }
0x67: {  	_ =	shalt  }
0x68: {  	_ =	shalt  }
0x69: {  	_ =	shalt  }
0x6a: {  	_ =	shalt  }
0x6b: {  	_ =	shalt  }
0x6c: {  	_ =	shalt  }
0x6d: {  	_ =	shalt  }
0x6e: {  	_ =	shalt  }
0x6f: {  	_ =	shalt  }
0x70: {  	_ =	shalt  }
0x71: {  	_ =	shalt  }
0x72: {  	_ =	shalt  }
0x73: {  	_ =	shalt  }
0x74: {  	_ =	shalt  }
0x75: {  	_ =	shalt  }
0x76: {  	_ =	shalt  }
0x77: {  	_ =	shalt  }
0x78: {  	_ =	shalt  }
0x79: {  	_ =	shalt  }
0x7a: {  	_ =	shalt  }
0x7b: {  	_ =	shalt  }
0x7c: {  	_ =	shalt  }
0x7d: {  	_ =	shalt  }
0x7e: {  	_ =	shalt  }
0x7f: {  	_ =	shalt  }
0x80: {  	_ =	shalt  }
0x81: {  	_ =	shalt  }
0x82: {  	_ =	shalt  }
0x83: {  	_ =	shalt  }
0x84: {  	_ =	shalt  }
0x85: {  	_ =	shalt  }
0x86: {  	_ =	shalt  }
0x87: {  	_ =	shalt  }
.Lfunc_end0:
.L_simem_size_0:
called_computation_lowered:
.L_overlay_start_0:
0x88: {  	s2 =	sld [smem:$0x3FD9]  }
0x89: {  	s3 =	sld [smem:$0x3FFE];
	_ =	sdelay $0x1  }
0x8a: {  	s1 =	srdreg.scid  }
0x8b: {  	s0 =	sand.u32 $0x1, s1  }
0x8c: {  	s18 =	sshll.u32 s0, $0xA;
	s2 =	sadd.s32 s3, s2  }
0x8d: {  	s2 =	sadd.s32 s2, s18  }
0x8e: {  	[smem:$0x3FC6] =	sst s2  }
0x8f: {  	_ = 	snop  }
0x90: {  	s2 =	sld [smem:$0x3FC9]  }
0x91: {  	s19 =	sld [smem:$0x3FC8]  }
0x92: {  	s4 =	sld [smem:$0x3FD0];
	(tm) =	ssettm $0x1  }
0x93: {  	s5 =	sld [smem:$0x3FFB];
	_ =	sdelay $0x3  }
0x94: {  	_ =	strace s5  }
0x95: {  	s5 =	sld [smem:$0x3FFC];
	_ =	sdelay $0x3  }
0x96: {  	_ =	strace s5  }
0x97: {  	s5 =	sld [smem:$0x3FFD];
	_ =	sdelay $0x3  }
0x98: {  	_ =	strace s5  }
0x99: {  	_ =	strace $0x8FFFFFFF  }
0x9a: {  	s20 =	sld [smem:$0x3FDB];
	_ =	sdelay $0x1  }
0x9b: {  	s6 =	simm.s32 $_scs_section_size  }
0x9c: {  	s7 =	simm.s32 $_size__tile_overlayer_lowered;
	s8 =	simm.s32 $_tile_overlayer_lowered  }
0x9d: {  	s23 =	simm.s32 $0x1BFF;
	s22 =	sshll.u32 s8, $0x1;
	s5 =	sadd.s32 s6, s20  }
0x9e: {  	s9 =	simm.s32 $0x0;
	s21 =	sshll.u32 s7, $0x1;
	s7 =	sadd.s32 s22, s5  }
0x9f: {  	[timem:s9], [sflag:s23] =	dma.local [hbm:s7], s21  }
0xa0: {  	_ =	swait.ge [sflag:s23], s21  }
0xa1: {  	s6 =	ssub.s32 $0x0, s21;
	[sflag:s23] =	ssyncset.done $0x0  }
0xa2: {  	[sflag:s23] =	ssyncadd.s32 s6;
	_ =	sdelay $0x1  }
0xa3: {  	s24 =	simm.s32 $0x1B8B  }
0xa4: {  	_ =	swait.ge [sflag:s24], $0x1  }
0xa5: {  	[sflag:s24] =	ssyncset.done $0x0  }
0xa6: {  	s25 =	simm.s32 $0x1B8E;
	[sflag:s24] =	ssyncadd.s32 $0xFFFFFFFF  }
0xa7: {  	s26 =	simm.s32 $execute0_lowered;
	[smem:$0x3FD2] =	sst s25  }
0xa8: {  	s6 =	sshll.u32 s26, $0x1;
	_ =	strace $0x80000046;
	[dreg:$0x1] =	wrdreg $0xFFFFFFFF  }
0xa9: {  	s28 =	simm.s32 $_size_execute0_lowered;
	s5 =	sadd.s32 s5, s6;
	[dreg:$0x0] =	wrdreg $0x0  }
0xaa: {  	s6 =	sshll.u32 s28, $0x1;
	[dreg:$0x2] =	wrdreg s5  }
0xab: {  	[dreg:$0x3] =	wrdreg s6  }
0xac: {  	[dreg:$0x4] =	wrdreg $0xC0  }
0xad: {  	_ =	task [dreg:s9], $0x5FFFF  }
0xae: {  	[dreg:$0x1] =	wrdreg $0xFFFFFFFF  }
0xaf: {  	[dreg:$0x0] =	wrdreg $0x60  }
0xb0: {  	[dreg:$0x2] =	wrdreg s2  }
0xb1: {  	[dreg:$0x3] =	wrdreg s19  }
0xb2: {  	[dreg:$0x4] =	wrdreg s4  }
0xb3: {  	[dreg:$0x5] =	wrdreg $0x9  }
0xb4: {  	_ =	task.clear_ibuf [dreg:s9], $0x6FFFF;
	_ =	strace $0x90000046  }
0xb5: {  	s29 =	simm.s32 $0x9;
	_ =	strace $0x80000048  }
0xb6: {  	_ =	swait.ge [sflag:s29], $0x1  }
0xb7: {  	[sflag:s29] =	ssyncadd.s32 $0xFFFFFFFF  }
0xb8: {  	_ =	strace $0x90000048  }
0xb9: {  	_ =	sfence  }
0xba: {  	s30 =	sld [smem:$0x0];
	_ =	sdelay $0x2  }
0xbb: {  	s31 =	sshll.u32 s1, $0xD;
	s1 =	sshrl.u32 s1, $0x2  }
0xbc: {  	s3 =	sand.u32 $0x4000, s31;
	s1 =	sadd.s32 s1, s30  }
0xbd: {  	s0 =	sor.u32 s3, s0;
	s1 =	sshll.u32 s1, $0x11  }
0xbe: {  	s0 =	sor.u32 s1, s0  }
0xbf: {  	s0 =	sadd.s32 $0x8F2B, s0  }
0xc0: {  	[sflag:s0] =	ssyncadd.remote.s32 $0x1  }
0xc1: {  	_ =	sfence.sel $0xFFFF  }
0xc2: {  	[dreg:$0x0] =	wrdreg $0xFFFFFFFF;
	(pc) =	sbr.abs _section_cstart, $3  }
0xc3: {  	[dreg:$0x1] =	wrdreg $0xFFFFFFFF  }
0xc4: {  	_ =	task.clear_ibuf [dreg:s9], $0x2FFFF;
	_ =	strace $0x9FFFFFFF  }
0xc5: {  	(tm) =	ssettm $0x7FFFFFFF  }
tec
execute0_lowered:
.L_overlay_start_1:
0x0: {  	(tag) =	ssettag $0x1  }
0x1: {  	s1 =	rddreg [dreg:$0x0]  }
0x2: {  	s4 =	rddreg [dreg:$0x1];
	s2 =	srdreg.scid  }
0x3: {  	s0 =	stileid.u32;
	s10 =	rddreg [dreg:$0x2]  }
0x4: {  	s13 =	simm.s32 $0x680;
	s14 =	simm.s32 $0x2E80;
	s15 =	simm.s32 $0xA0  }
0x5: {  	s16 =	simm.s32 $0x5680;
	s17 =	simm.s32 $0xF0;
	s18 =	simm.s32 $0x7E80  }
0x6: {  	s19 =	simm.s32 $0x1;
	s20 =	simm.s32 $0x2;
	s21 =	simm.s32 $0x3  }
0x7: {  	s22 =	simm.s32 $0x4;
	s23 =	simm.s32 $0x5;
	s24 =	simm.s32 $0x6  }
0x8: {  	s25 =	simm.s32 $0x7;
	s8 =	sand.u32 $0x1, s2;
	s3 =	sshll.u32 s0, $0x1  }
0x9: {  	s26 =	simm.s32 $0x8;
	s11 =	smul.u32 $0xC800, s0;
	s5 =	sor.u32 s8, s3  }
0xa: {  	s28 =	simm.s32 $0x0;
	s3 =	simm.s32 $0x0;
	s7 =	smul.u32 $0x640, s5  }
0xb: {  	s6 =	ssub.s32 $0x2, s8;
	[smem:$0x7FF] =	sst s3;
	s5 =	smul.u32 $0x6400, s5  }
0xc: {  	s12 =	smul.u32 $0x6400, s8;
	s9 =	sshrl.u32 s6, $0x1;
	_ =	strace $0x80000047  }
0xd: {  	s6 =	ssub.s32 s6, s9;
	s7 =	sshrl.u32 s7, $0x3;
	s5 =	sadd.s32 s10, s5  }
0xe: {  	s6 =	smax.u32 s6, $0x1;
	s10 =	sadd.s32 s11, s10;
	s11 =	simm.s32 $0x9  }
0xf: {  	s4 =	sadd.s32 s4, s7;
	s7 =	sadd.s32 $0x500, s5;
	s8 =	sadd.s32 $0xA00, s5  }
0x10: {  	s9 =	sadd.s32 $0xF00, s5;
	s10 =	sadd.s32 s12, s10;
	s12 =	simm.s32 $0x50  }
.LBB2_1:
0x11: {  	[tilespmem:s3], [sflag:$0x9] =	stream.linear.gather [hbm4b:s4+s3], $0x640, $0x38;
	[tilespmem:$0xA680] =	vst v63  }
0x12: {  	_ =	swait.ge [sflag:s11], $0x640  }
0x13: {  	[sflag:s11] =	ssyncset.done $0x0  }
0x14: {  	[sflag:s11] =	ssyncadd.s32 $0xFFFFF9C0  }
0x15: {  	[tilespmem:s13], [sflag:$0x1] =	stream.indirect.gather [hbm4b:s1+s12], $0x80, s3, s12, $0xb8;
	[tilespmem:$0xA680] =	vst v63  }
0x16: {  	_ = 	snop  }
0x17: {  	[tilespmem:s14], [sflag:$0x2] =	stream.indirect.gather [hbm4b:s1+s12], $0x80, s12, s12, $0xb8;
	[tilespmem:$0xA680] =	vst v63  }
0x18: {  	_ = 	snop  }
0x19: {  	[tilespmem:s16], [sflag:$0x3] =	stream.indirect.gather [hbm4b:s1+s12], $0x80, s15, s12, $0xb8;
	[tilespmem:$0xA680] =	vst v63  }
0x1a: {  	_ = 	snop  }
0x1b: {  	[tilespmem:s18], [sflag:$0x4] =	stream.indirect.gather [hbm4b:s1+s12], $0x80, s17, s12, $0xb8;
	[tilespmem:$0xA680] =	vst v63  }
0x1c: {  	_ =	swait.ge [sflag:s19], $0x2800  }
0x1d: {  	[sflag:s19] =	ssyncset.done $0x0  }
0x1e: {  	[sflag:s19] =	ssyncadd.s32 $0xFFFFD800  }
0x1f: {  	[hbm4b:s5+s3] =	stream.linear.scatter [tilespmem:s13], [sflag:$0x5], $0x2800, $0x38;
	[tilespmem:$0xA680] =	vst v63  }
0x20: {  	_ =	swait.ge [sflag:s20], $0x2800  }
0x21: {  	[sflag:s20] =	ssyncset.done $0x0  }
0x22: {  	[sflag:s20] =	ssyncadd.s32 $0xFFFFD800  }
0x23: {  	[hbm4b:s7+s3] =	stream.linear.scatter [tilespmem:s14], [sflag:$0x6], $0x2800, $0x38;
	[tilespmem:$0xA680] =	vst v63  }
0x24: {  	_ =	swait.ge [sflag:s21], $0x2800  }
0x25: {  	[sflag:s21] =	ssyncset.done $0x0  }
0x26: {  	[sflag:s21] =	ssyncadd.s32 $0xFFFFD800  }
0x27: {  	[hbm4b:s8+s3] =	stream.linear.scatter [tilespmem:s16], [sflag:$0x7], $0x2800, $0x38;
	[tilespmem:$0xA680] =	vst v63  }
0x28: {  	_ =	swait.ge [sflag:s22], $0x2800  }
0x29: {  	[sflag:s22] =	ssyncset.done $0x0  }
0x2a: {  	[sflag:s22] =	ssyncadd.s32 $0xFFFFD800  }
0x2b: {  	[hbm4b:s9+s3] =	stream.linear.scatter [tilespmem:s18], [sflag:$0x8], $0x2800, $0x38;
	[tilespmem:$0xA680] =	vst v63  }
0x2c: {  	_ =	swait.ge [sflag:s23], $0x2800  }
0x2d: {  	[sflag:s23] =	ssyncset.done $0x0  }
0x2e: {  	s29 =	simm.s32 $0x140;
	[sflag:s23] =	ssyncadd.s32 $0xFFFFD800  }
0x2f: {  	[tilespmem:s13], [sflag:$0x1] =	stream.indirect.gather [hbm4b:s1+s12], $0x80, s29, s12, $0xb8;
	[tilespmem:$0xA680] =	vst v63  }
0x30: {  	_ =	swait.ge [sflag:s24], $0x2800  }
0x31: {  	[sflag:s24] =	ssyncset.done $0x0  }
0x32: {  	s29 =	simm.s32 $0x190;
	[sflag:s24] =	ssyncadd.s32 $0xFFFFD800  }
0x33: {  	[tilespmem:s14], [sflag:$0x2] =	stream.indirect.gather [hbm4b:s1+s12], $0x80, s29, s12, $0xb8;
	[tilespmem:$0xA680] =	vst v63  }
0x34: {  	_ =	swait.ge [sflag:s25], $0x2800  }
0x35: {  	[sflag:s25] =	ssyncset.done $0x0  }
0x36: {  	s29 =	simm.s32 $0x1E0;
	[sflag:s25] =	ssyncadd.s32 $0xFFFFD800  }
0x37: {  	[tilespmem:s16], [sflag:$0x3] =	stream.indirect.gather [hbm4b:s1+s12], $0x80, s29, s12, $0xb8;
	[tilespmem:$0xA680] =	vst v63  }
0x38: {  	_ =	swait.ge [sflag:s26], $0x2800  }
0x39: {  	[sflag:s26] =	ssyncset.done $0x0  }
0x3a: {  	s29 =	simm.s32 $0x230;
	[sflag:s26] =	ssyncadd.s32 $0xFFFFD800  }
0x3b: {  	[tilespmem:s18], [sflag:$0x4] =	stream.indirect.gather [hbm4b:s1+s12], $0x80, s29, s12, $0xb8;
	[tilespmem:$0xA680] =	vst v63  }
0x3c: {  	_ =	swait.ge [sflag:s19], $0x2800  }
0x3d: {  	s30 =	sadd.s32 $0x0, s10;
	[sflag:s19] =	ssyncset.done $0x0  }
0x3e: {  	s29 =	sadd.s32 $0x1400, s30;
	[sflag:s19] =	ssyncadd.s32 $0xFFFFD800  }
0x3f: {  	[hbm4b:s29+s3] =	stream.linear.scatter [tilespmem:s13], [sflag:$0x5], $0x2800, $0x38;
	[tilespmem:$0xA680] =	vst v63  }
0x40: {  	_ =	swait.ge [sflag:s20], $0x2800  }
0x41: {  	[sflag:s20] =	ssyncset.done $0x0  }
0x42: {  	s29 =	sadd.s32 $0x1900, s30;
	[sflag:s20] =	ssyncadd.s32 $0xFFFFD800  }
0x43: {  	[hbm4b:s29+s3] =	stream.linear.scatter [tilespmem:s14], [sflag:$0x6], $0x2800, $0x38;
	[tilespmem:$0xA680] =	vst v63  }
0x44: {  	_ =	swait.ge [sflag:s21], $0x2800  }
0x45: {  	[sflag:s21] =	ssyncset.done $0x0  }
0x46: {  	s29 =	sadd.s32 $0x1E00, s30;
	[sflag:s21] =	ssyncadd.s32 $0xFFFFD800  }
0x47: {  	[hbm4b:s29+s3] =	stream.linear.scatter [tilespmem:s16], [sflag:$0x7], $0x2800, $0x38;
	[tilespmem:$0xA680] =	vst v63  }
0x48: {  	_ =	swait.ge [sflag:s22], $0x2800  }
0x49: {  	s31 =	sadd.s32 $0x2300, s30;
	[sflag:s22] =	ssyncset.done $0x0  }
0x4a: {  	s30 =	simm.s32 $0x370;
	s29 =	simm.s32 $0x1400;
	[sflag:s22] =	ssyncadd.s32 $0xFFFFD800  }
.LBB2_2:
0x4b: {  	[hbm4b:s31+s3] =	stream.linear.scatter [tilespmem:s18], [sflag:$0x8], $0x2800, $0x38;
	[tilespmem:$0xA680] =	vst v63  }
0x4c: {  	s31 =	smov.u32 s29  }
0x4d: {  	p0 =	sne.s32 s29, $0x3C00;
	s29 =	sadd.s32 $0x1400, s29;
	_ =	swait.ge [sflag:s23], $0x2800  }
0x4e: {  	[sflag:s23] =	ssyncset.done $0x0  }
0x4f: {  	s2 =	sadd.s32 $0xFFFFFF10, s30;
	[sflag:s23] =	ssyncadd.s32 $0xFFFFD800  }
0x50: {  	[tilespmem:s13], [sflag:$0x1] =	stream.indirect.gather [hbm4b:s1+s12], $0x80, s2, s12, $0xb8;
	[tilespmem:$0xA680] =	vst v63  }
0x51: {  	_ =	swait.ge [sflag:s24], $0x2800  }
0x52: {  	[sflag:s24] =	ssyncset.done $0x0  }
0x53: {  	s2 =	sadd.s32 $0xFFFFFF60, s30;
	[sflag:s24] =	ssyncadd.s32 $0xFFFFD800  }
0x54: {  	[tilespmem:s14], [sflag:$0x2] =	stream.indirect.gather [hbm4b:s1+s12], $0x80, s2, s12, $0xb8;
	[tilespmem:$0xA680] =	vst v63  }
0x55: {  	_ =	swait.ge [sflag:s25], $0x2800  }
0x56: {  	[sflag:s25] =	ssyncset.done $0x0  }
0x57: {  	s2 =	sadd.s32 $0xFFFFFFB0, s30;
	[sflag:s25] =	ssyncadd.s32 $0xFFFFD800  }
0x58: {  	[tilespmem:s16], [sflag:$0x3] =	stream.indirect.gather [hbm4b:s1+s12], $0x80, s2, s12, $0xb8;
	[tilespmem:$0xA680] =	vst v63  }
0x59: {  	_ =	swait.ge [sflag:s26], $0x2800  }
0x5a: {  	[sflag:s26] =	ssyncset.done $0x0  }
0x5b: {  	[sflag:s26] =	ssyncadd.s32 $0xFFFFD800  }
0x5c: {  	[tilespmem:s18], [sflag:$0x4] =	stream.indirect.gather [hbm4b:s1+s12], $0x80, s30, s12, $0xb8;
	[tilespmem:$0xA680] =	vst v63  }
0x5d: {  	_ =	swait.ge [sflag:s19], $0x2800  }
0x5e: {  	s2 =	sadd.s32 s31, s10;
	[sflag:s19] =	ssyncset.done $0x0  }
0x5f: {  	s31 =	sadd.s32 $0x1400, s2;
	[sflag:s19] =	ssyncadd.s32 $0xFFFFD800  }
0x60: {  	[hbm4b:s31+s3] =	stream.linear.scatter [tilespmem:s13], [sflag:$0x5], $0x2800, $0x38;
	[tilespmem:$0xA680] =	vst v63  }
0x61: {  	_ =	swait.ge [sflag:s20], $0x2800  }
0x62: {  	[sflag:s20] =	ssyncset.done $0x0  }
0x63: {  	s31 =	sadd.s32 $0x1900, s2;
	[sflag:s20] =	ssyncadd.s32 $0xFFFFD800  }
0x64: {  	[hbm4b:s31+s3] =	stream.linear.scatter [tilespmem:s14], [sflag:$0x6], $0x2800, $0x38;
	[tilespmem:$0xA680] =	vst v63  }
0x65: {  	_ =	swait.ge [sflag:s21], $0x2800  }
0x66: {  	[sflag:s21] =	ssyncset.done $0x0  }
.Ltmp0:
0x67: {  	s31 =	sadd.s32 $0x1E00, s2;
	[sflag:s21] =	ssyncadd.s32 $0xFFFFD800;
	(pc) =	sbr.rel @p0 .LBB2_2-.Ltmp0, $4  }
0x68: {  	[hbm4b:s31+s3] =	stream.linear.scatter [tilespmem:s16], [sflag:$0x7], $0x2800, $0x38;
	[tilespmem:$0xA680] =	vst v63  }
0x69: {  	_ =	swait.ge [sflag:s22], $0x2800  }
0x6a: {  	[sflag:s22] =	ssyncset.done $0x0  }
0x6b: {  	s30 =	sadd.s32 $0x140, s30;
	s31 =	sadd.s32 $0x2300, s2;
	[sflag:s22] =	ssyncadd.s32 $0xFFFFD800  }
0x6c: {  	[hbm4b:s31+s3] =	stream.linear.scatter [tilespmem:s18], [sflag:$0x8], $0x2800, $0x38;
	[tilespmem:$0xA680] =	vst v63  }
0x6d: {  	_ =	swait.ge [sflag:s23], $0x2800  }
0x6e: {  	[sflag:s23] =	ssyncset.done $0x0  }
0x6f: {  	[sflag:s23] =	ssyncadd.s32 $0xFFFFD800  }
0x70: {  	_ =	swait.ge [sflag:s24], $0x2800  }
0x71: {  	[sflag:s24] =	ssyncset.done $0x0  }
0x72: {  	s28 =	sadd.s32 $0x1, s28;
	[sflag:s24] =	ssyncadd.s32 $0xFFFFD800  }
0x73: {  	p0 =	sne.s32 s28, s6;
	_ =	swait.ge [sflag:s25], $0x2800  }
.Ltmp1:
0x74: {  	[sflag:s25] =	ssyncset.done $0x0;
	(pc) =	sbr.rel @p0 .LBB2_1-.Ltmp1, $4  }
0x75: {  	[sflag:s25] =	ssyncadd.s32 $0xFFFFD800  }
0x76: {  	_ =	swait.ge [sflag:s26], $0x2800  }
0x77: {  	[sflag:s26] =	ssyncset.done $0x0  }
0x78: {  	[sflag:s26] =	ssyncadd.s32 $0xFFFFD800  }
0x79: {  	_ =	sfence.sel $0x180000  }
0x7a: {  	[bflag:$0x0] =	sbarrier.arrive $0xFFFF  }
0x7b: {  	_ =	strace $0x90000047  }
0x7c: {  	[bflag:$0x2] =	sbarrier.arrive $0xFFFF  }
0x7d: {  	p0 =	sne.s32 s0, $0x0;
	s0 =	rddreg [dreg:$0x3]  }
0x7e: {  	s0 =	sadd.s32 @!p0 $0x100000, s0  }
0x7f: {  	[sflag:s0] =	ssyncadd.tile.s32 @!p0 $0x1;
	_ =	shalt  }
.Lfunc_end2:
_tile_overlayer_lowered:
.L_overlay_start_2:
0x80: {  	(tag) =	ssettag $0x2  }
0x81: {  	s0 =	rddreg [dreg:$0x0];
	s2 =	stileid.u32  }
0x82: {  	s1 =	rddreg [dreg:$0x1];
	p0 =	sne.s32 s2, $0x0  }
0x83: {  	s3 =	rddreg [dreg:$0x2];
	[bflag:$0x3] =	sbarrier.arrive $0xFFFF;
	s2 =	simm.s32 @!p0 $0x1C09  }
0x84: {  	[timem:s3], [sflag:s2] =	dma.local @!p0 [hbm:s0], s1  }
0x85: {  	s0 =	simm.s32 @!p0 $0x9  }
0x86: {  	_ =	swait.ge @!p0 [sflag:s0], s1  }
0x87: {  	s1 =	ssub.s32 @!p0 $0x0, s1;
	[sflag:s0] =	ssyncset.done @!p0 $0x0  }
0x88: {  	[sflag:s0] =	ssyncadd.s32 @!p0 s1  }
0x89: {  	[bflag:$0x3] =	sbarrier.arrive $0xFFFF  }
0x8a: {  	_ =	shalt  }

</sc_bundles>
